<compile_context>
chip_gen: v7x
topology: tpu7x:2x2x1
jax: 0.10.2.dev20260603
libtpu: 0.0.44.dev20260713+nightly
codegen_flags: <defaults>
</compile_context>

<pallas_src>
import jax
import jax.numpy as jnp
from jax import lax
from jax.experimental import pallas as pl
from jax.experimental.pallas import tpu as pltpu
from jax.experimental.pallas import tpu_sc as plsc

_N = 100000
_D = 128
_V = 109
_BIG = 3128
_SMALL = 3120
_C = 400
_NMAIN = 7

_mesh = plsc.VectorSubcoreMesh(core_axis_name="core", subcore_axis_name="subcore")


def kernel(x, table):
    idx = x.astype(jnp.int32)

    @pl.kernel(
        out_type=jax.ShapeDtypeStruct((_N, _D), table.dtype),
        mesh=_mesh,
        scratch_types=[
            pltpu.VMEM_SHARED((_V, _D), jnp.float32),
            pltpu.VMEM((_BIG,), jnp.int32),
            pltpu.VMEM((_C, _D), jnp.float32),
            pltpu.VMEM((_C, _D), jnp.float32),
            pltpu.SemaphoreType.DMA,
            pltpu.SemaphoreType.DMA,
            pltpu.SemaphoreType.DMA,
            pltpu.SemaphoreType.DMA,
            pltpu.SemaphoreType.DMA,
        ],
    )
    def _gather(table_hbm, i_hbm, o_hbm, table_sh, idx_v, buf0, buf1,
                g0, g1, w0, w1, tsem):
        w = lax.axis_index("subcore") * 2 + lax.axis_index("core")
        base = pl.multiple_of(w * _SMALL + 8 * jnp.minimum(w, 20), 8)

        @pl.when(lax.axis_index("subcore") == 0)
        def _():
            pltpu.async_copy(table_hbm, table_sh, tsem).wait()

        @pl.when(w < 20)
        def _():
            pltpu.sync_copy(i_hbm.at[pl.ds(base, _BIG)], idx_v)

        @pl.when(w >= 20)
        def _():
            pltpu.sync_copy(i_hbm.at[pl.ds(base, _SMALL)],
                            idx_v.at[pl.ds(0, _SMALL)])

        plsc.subcore_barrier()

        bufs = (buf0, buf1)
        gsems = (g0, g1)
        wsems = (w0, w1)

        def start_gather(k, buf, gsem):
            pltpu.async_copy(
                table_sh.at[idx_v.at[pl.ds(k * _C, _C)]], buf, gsem)

        def start_write(k, buf, wsem):
            obase = pl.multiple_of(base + k * _C, 8)
            pltpu.async_copy(buf, o_hbm.at[pl.ds(obase, _C)], wsem)

        start_gather(0, bufs[0], gsems[0])
        for k in range(_NMAIN):
            j, jn = k % 2, (k + 1) % 2
            pltpu.make_async_copy(table_sh.at[idx_v.at[pl.ds(0, _C)]],
                                  bufs[j], gsems[j]).wait()
            start_write(k, bufs[j], wsems[j])
            if k + 1 < _NMAIN:
                if k + 1 >= 2:
                    pltpu.make_async_copy(bufs[jn],
                                          o_hbm.at[pl.ds(0, _C)],
                                          wsems[jn]).wait()
                start_gather(k + 1, bufs[jn], gsems[jn])

        jt = _NMAIN % 2
        pltpu.make_async_copy(bufs[jt], o_hbm.at[pl.ds(0, _C)],
                              wsems[jt]).wait()
        tbase = pl.multiple_of(base + _NMAIN * _C, 8)

        @pl.when(w < 20)
        def _():
            pltpu.async_copy(
                table_sh.at[idx_v.at[pl.ds(_NMAIN * _C, _BIG - _NMAIN * _C)]],
                bufs[jt].at[pl.ds(0, _BIG - _NMAIN * _C)], gsems[jt])
            pltpu.make_async_copy(
                table_sh.at[idx_v.at[pl.ds(0, _BIG - _NMAIN * _C)]],
                bufs[jt].at[pl.ds(0, _BIG - _NMAIN * _C)], gsems[jt]).wait()
            pltpu.async_copy(bufs[jt].at[pl.ds(0, _BIG - _NMAIN * _C)],
                             o_hbm.at[pl.ds(tbase, _BIG - _NMAIN * _C)],
                             wsems[jt])

        @pl.when(w >= 20)
        def _():
            pltpu.async_copy(
                table_sh.at[idx_v.at[pl.ds(_NMAIN * _C, _SMALL - _NMAIN * _C)]],
                bufs[jt].at[pl.ds(0, _SMALL - _NMAIN * _C)], gsems[jt])
            pltpu.make_async_copy(
                table_sh.at[idx_v.at[pl.ds(0, _SMALL - _NMAIN * _C)]],
                bufs[jt].at[pl.ds(0, _SMALL - _NMAIN * _C)], gsems[jt]).wait()
            pltpu.async_copy(bufs[jt].at[pl.ds(0, _SMALL - _NMAIN * _C)],
                             o_hbm.at[pl.ds(tbase, _SMALL - _NMAIN * _C)],
                             wsems[jt])

        pltpu.make_async_copy(bufs[(_NMAIN - 1) % 2], o_hbm.at[pl.ds(0, _C)],
                              wsems[(_NMAIN - 1) % 2]).wait()

        @pl.when(w < 20)
        def _():
            pltpu.make_async_copy(bufs[jt].at[pl.ds(0, _BIG - _NMAIN * _C)],
                                  o_hbm.at[pl.ds(0, _BIG - _NMAIN * _C)],
                                  wsems[jt]).wait()

        @pl.when(w >= 20)
        def _():
            pltpu.make_async_copy(bufs[jt].at[pl.ds(0, _SMALL - _NMAIN * _C)],
                                  o_hbm.at[pl.ds(0, _SMALL - _NMAIN * _C)],
                                  wsems[jt]).wait()

    return _gather(table, idx)

# --- scband reference (transcript-rebuilt; emitter-appended) ---
"""Pipeline reference for scband-atomic-embedding-87471303950466 (READ-ONLY COPY).

The authoritative reference and input builder live on the scoring server;
editing this copy changes nothing except your own understanding.
"""

import jax, jax.numpy as jnp
import numpy as np

MAX_NUM_ELEMENTS = 108
FEATURE_DIM = 128
N_ATOMS = 100000

def setup_inputs(seed: int = 0) -> dict:
    key = jax.random.key(seed)
    k1, k2 = jax.random.split(key)
    x = jax.random.randint(k1, (N_ATOMS,), 0, MAX_NUM_ELEMENTS + 1, dtype=jnp.int64 if jax.config.jax_enable_x64 else jnp.int32)
    # embedding table initialized normal(0, 0.02) per reset_parameters
    table = 0.02 * jax.random.normal(k2, (MAX_NUM_ELEMENTS + 1, FEATURE_DIM), dtype=jnp.float32)
    return {"x": x, "table": table}

def reference(x, table):
    # nn.Embedding forward: row gather from the embedding table
    return jnp.take(table, x, axis=0)

if __name__ == "__main__":
    import jax
    _d = setup_inputs()
    print(jax.jit(kernel)(*tuple(_d.values())))

</pallas_src>

<mosaic_0001>
#map = affine_map<(d0, d1) -> (0, 0)>
#map1 = affine_map<(d0, d1) -> (0)>
module attributes {stable_mosaic.version = 14 : i64} {
  func.func @_gather(%arg0: i32, %arg1: i32, %arg2: memref<109x128xf32, #tpu.memory_space<hbm>>, %arg3: memref<100000xi32, #tpu.memory_space<hbm>>, %arg4: memref<100000x128xf32, #tpu.memory_space<hbm>>, %arg5: memref<109x128xf32, #tpu.memory_space<vmem_shared>>, %arg6: memref<3128xi32, #tpu.memory_space<vmem>>, %arg7: memref<400x128xf32, #tpu.memory_space<vmem>>, %arg8: memref<400x128xf32, #tpu.memory_space<vmem>>, %arg9: memref<!tpu.dma_semaphore, #tpu.memory_space<semaphore_mem>>, %arg10: memref<!tpu.dma_semaphore, #tpu.memory_space<semaphore_mem>>, %arg11: memref<!tpu.dma_semaphore, #tpu.memory_space<semaphore_mem>>, %arg12: memref<!tpu.dma_semaphore, #tpu.memory_space<semaphore_mem>>, %arg13: memref<!tpu.dma_semaphore, #tpu.memory_space<semaphore_mem>>) attributes {dimension_semantics = [#tpu.dimension_semantics<core_parallel>, #tpu.dimension_semantics<subcore_parallel>], iteration_bounds = array<i64: 2, 16>, scalar_prefetch = 0 : i64, scratch_operands = 9 : i64, tpu.core_type = #tpu.core_type<sc_vector_subcore>, window_params = [{transform_indices = #map}, {transform_indices = #map1}, {transform_indices = #map}]} {
    %mul3A = arith.constant 2 : i32
    %mul3A_0 = arith.muli %arg1, %mul3A : i32
    %add3A = arith.addi %mul3A_0, %arg0 : i32
    %mul3A_1 = arith.constant 3120 : i32
    %mul3A_2 = arith.muli %add3A, %mul3A_1 : i32
    %min3A = arith.constant 20 : i32
    %min3A_3 = arith.minsi %add3A, %min3A : i32
    %mul3A_4 = arith.constant 8 : i32
    %mul3A_5 = arith.muli %mul3A_4, %min3A_3 : i32
    %add3A_6 = arith.addi %mul3A_2, %mul3A_5 : i32
    %multiple_of3A = tpu.assume_multiple %add3A_6, 8 : i32
    %eq3A = arith.constant 0 : i32
    %eq3A_7 = arith.cmpi eq, %arg1, %eq3A : i32
    %convert_element_type3A = arith.extui %eq3A_7 : i1 to i32
    %cond3A = arith.constant 0 : i32
    %cond3A_8 = arith.cmpi ne, %convert_element_type3A, %cond3A : i32
    scf.if %cond3A_8 {
      tpu.enqueue_dma source(%arg2 : memref<109x128xf32, #tpu.memory_space<hbm>>) target(%arg5 : memref<109x128xf32, #tpu.memory_space<vmem_shared>>) target_semaphore(%arg13 : memref<!tpu.dma_semaphore, #tpu.memory_space<semaphore_mem>>)
      tpu.wait_dma2 semaphore(%arg13 : memref<!tpu.dma_semaphore, #tpu.memory_space<semaphore_mem>>) src(%arg2 : memref<109x128xf32, #tpu.memory_space<hbm>>) dst(%arg5 : memref<109x128xf32, #tpu.memory_space<vmem_shared>>)
    } else {
    }
    %lt3A = arith.constant 20 : i32
    %lt3A_9 = arith.cmpi slt, %add3A, %lt3A : i32
    %convert_element_type3A_10 = arith.extui %lt3A_9 : i1 to i32
    %cond3A_11 = arith.constant 0 : i32
    %cond3A_12 = arith.cmpi ne, %convert_element_type3A_10, %cond3A_11 : i32
    scf.if %cond3A_12 {
      "tpu.region"() ({
        %run_scoped3A = tpu.sem_alloc : memref<!tpu.dma_semaphore, #tpu.memory_space<semaphore_mem>>
        %dma_start3A_199 = tpu.memref_slice %arg3[%multiple_of3A] : memref<100000xi32, #tpu.memory_space<hbm>> -> memref<3128xi32, #tpu.memory_space<hbm>>
        %dma_start3A_200 = tpu.memref_slice %arg3[%multiple_of3A] : memref<100000xi32, #tpu.memory_space<hbm>> -> memref<3128xi32, #tpu.memory_space<hbm>>
        tpu.enqueue_dma source(%dma_start3A_200 : memref<3128xi32, #tpu.memory_space<hbm>>) target(%arg6 : memref<3128xi32, #tpu.memory_space<vmem>>) target_semaphore(%run_scoped3A : memref<!tpu.dma_semaphore, #tpu.memory_space<semaphore_mem>>)
        %dma_wait3A_201 = tpu.memref_slice %arg3[%multiple_of3A] : memref<100000xi32, #tpu.memory_space<hbm>> -> memref<3128xi32, #tpu.memory_space<hbm>>
        %dma_wait3A_202 = tpu.memref_slice %arg3[%multiple_of3A] : memref<100000xi32, #tpu.memory_space<hbm>> -> memref<3128xi32, #tpu.memory_space<hbm>>
        tpu.wait_dma2 semaphore(%run_scoped3A : memref<!tpu.dma_semaphore, #tpu.memory_space<semaphore_mem>>) src(%dma_wait3A_202 : memref<3128xi32, #tpu.memory_space<hbm>>) dst(%arg6 : memref<3128xi32, #tpu.memory_space<vmem>>)
        tpu.yield
      }) : () -> ()
    } else {
    }
    %ge3A = arith.constant 20 : i32
    %ge3A_13 = arith.cmpi sge, %add3A, %ge3A : i32
    %convert_element_type3A_14 = arith.extui %ge3A_13 : i1 to i32
    %cond3A_15 = arith.constant 0 : i32
    %cond3A_16 = arith.cmpi ne, %convert_element_type3A_14, %cond3A_15 : i32
    scf.if %cond3A_16 {
      "tpu.region"() ({
        %run_scoped3A = tpu.sem_alloc : memref<!tpu.dma_semaphore, #tpu.memory_space<semaphore_mem>>
        %dma_start3A_199 = arith.constant 0 : i32
        %dma_start3A_200 = tpu.memref_slice %arg6[%dma_start3A_199] : memref<3128xi32, #tpu.memory_space<vmem>> -> memref<3120xi32, #tpu.memory_space<vmem>>
        %dma_start3A_201 = tpu.memref_slice %arg3[%multiple_of3A] : memref<100000xi32, #tpu.memory_space<hbm>> -> memref<3120xi32, #tpu.memory_space<hbm>>
        %dma_start3A_202 = arith.constant 0 : i32
        %dma_start3A_203 = tpu.memref_slice %arg6[%dma_start3A_202] : memref<3128xi32, #tpu.memory_space<vmem>> -> memref<3120xi32, #tpu.memory_space<vmem>>
        %dma_start3A_204 = tpu.memref_slice %arg3[%multiple_of3A] : memref<100000xi32, #tpu.memory_space<hbm>> -> memref<3120xi32, #tpu.memory_space<hbm>>
        tpu.enqueue_dma source(%dma_start3A_204 : memref<3120xi32, #tpu.memory_space<hbm>>) target(%dma_start3A_203 : memref<3120xi32, #tpu.memory_space<vmem>>) target_semaphore(%run_scoped3A : memref<!tpu.dma_semaphore, #tpu.memory_space<semaphore_mem>>)
        %dma_wait3A_205 = arith.constant 0 : i32
        %dma_wait3A_206 = tpu.memref_slice %arg6[%dma_wait3A_205] : memref<3128xi32, #tpu.memory_space<vmem>> -> memref<3120xi32, #tpu.memory_space<vmem>>
        %dma_wait3A_207 = tpu.memref_slice %arg3[%multiple_of3A] : memref<100000xi32, #tpu.memory_space<hbm>> -> memref<3120xi32, #tpu.memory_space<hbm>>
        %dma_wait3A_208 = arith.constant 0 : i32
        %dma_wait3A_209 = tpu.memref_slice %arg6[%dma_wait3A_208] : memref<3128xi32, #tpu.memory_space<vmem>> -> memref<3120xi32, #tpu.memory_space<vmem>>
        %dma_wait3A_210 = tpu.memref_slice %arg3[%multiple_of3A] : memref<100000xi32, #tpu.memory_space<hbm>> -> memref<3120xi32, #tpu.memory_space<hbm>>
        tpu.wait_dma2 semaphore(%run_scoped3A : memref<!tpu.dma_semaphore, #tpu.memory_space<semaphore_mem>>) src(%dma_wait3A_210 : memref<3120xi32, #tpu.memory_space<hbm>>) dst(%dma_wait3A_209 : memref<3120xi32, #tpu.memory_space<vmem>>)
        tpu.yield
      }) : () -> ()
    } else {
    }
    %barrier3A = arith.constant 0 : index
    tpu.barrier barrier_id(%barrier3A)
    %dma_start3A = arith.constant 0 : i32
    %dma_start3A_17 = tpu.memref_slice %arg6[%dma_start3A] : memref<3128xi32, #tpu.memory_space<vmem>> -> memref<400xi32, #tpu.memory_space<vmem>>
    %dma_start3A_18 = arith.constant 0 : i32
    %dma_start3A_19 = arith.constant 0 : i32
    %dma_start3A_20 = tpu.memref_slice %arg5[%dma_start3A_18, %dma_start3A_19] : memref<109x128xf32, #tpu.memory_space<vmem_shared>> -> memref<109x128xf32, #tpu.memory_space<vmem_shared>>
    tpu.enqueue_indirect_dma source(%dma_start3A_20 : memref<109x128xf32, #tpu.memory_space<vmem_shared>>) target(%arg7 : memref<400x128xf32, #tpu.memory_space<vmem>>) offsets(%dma_start3A_17 : memref<400xi32, #tpu.memory_space<vmem>>) semaphore(%arg9 : memref<!tpu.dma_semaphore, #tpu.memory_space<semaphore_mem>>)
    %dma_wait3A = arith.constant 0 : i32
    %dma_wait3A_21 = tpu.memref_slice %arg6[%dma_wait3A] : memref<3128xi32, #tpu.memory_space<vmem>> -> memref<400xi32, #tpu.memory_space<vmem>>
    %dma_wait3A_22 = arith.constant 0 : i32
    %dma_wait3A_23 = arith.constant 0 : i32
    %dma_wait3A_24 = tpu.memref_slice %arg5[%dma_wait3A_22, %dma_wait3A_23] : memref<109x128xf32, #tpu.memory_space<vmem_shared>> -> memref<109x128xf32, #tpu.memory_space<vmem_shared>>
    tpu.wait_indirect_dma semaphore(%arg9 : memref<!tpu.dma_semaphore, #tpu.memory_space<semaphore_mem>>) src(%dma_wait3A_24 : memref<109x128xf32, #tpu.memory_space<vmem_shared>>) dst(%arg7 : memref<400x128xf32, #tpu.memory_space<vmem>>)
    %add3A_25 = arith.constant 0 : i32
    %add3A_26 = arith.addi %multiple_of3A, %add3A_25 : i32
    %multiple_of3A_27 = tpu.assume_multiple %add3A_26, 8 : i32
    %dma_start3A_28 = arith.constant 0 : i32
    %dma_start3A_29 = tpu.memref_slice %arg4[%multiple_of3A_27, %dma_start3A_28] : memref<100000x128xf32, #tpu.memory_space<hbm>> -> memref<400x128xf32, #tpu.memory_space<hbm>>
    %dma_start3A_30 = arith.constant 0 : i32
    %dma_start3A_31 = tpu.memref_slice %arg4[%multiple_of3A_27, %dma_start3A_30] : memref<100000x128xf32, #tpu.memory_space<hbm>> -> memref<400x128xf32, #tpu.memory_space<hbm>>
    tpu.enqueue_dma source(%arg7 : memref<400x128xf32, #tpu.memory_space<vmem>>) target(%dma_start3A_31 : memref<400x128xf32, #tpu.memory_space<hbm>>) target_semaphore(%arg11 : memref<!tpu.dma_semaphore, #tpu.memory_space<semaphore_mem>>)
    %dma_start3A_32 = arith.constant 400 : i32
    %dma_start3A_33 = tpu.memref_slice %arg6[%dma_start3A_32] : memref<3128xi32, #tpu.memory_space<vmem>> -> memref<400xi32, #tpu.memory_space<vmem>>
    %dma_start3A_34 = arith.constant 0 : i32
    %dma_start3A_35 = arith.constant 0 : i32
    %dma_start3A_36 = tpu.memref_slice %arg5[%dma_start3A_34, %dma_start3A_35] : memref<109x128xf32, #tpu.memory_space<vmem_shared>> -> memref<109x128xf32, #tpu.memory_space<vmem_shared>>
    tpu.enqueue_indirect_dma source(%dma_start3A_36 : memref<109x128xf32, #tpu.memory_space<vmem_shared>>) target(%arg8 : memref<400x128xf32, #tpu.memory_space<vmem>>) offsets(%dma_start3A_33 : memref<400xi32, #tpu.memory_space<vmem>>) semaphore(%arg10 : memref<!tpu.dma_semaphore, #tpu.memory_space<semaphore_mem>>)
    %dma_wait3A_37 = arith.constant 0 : i32
    %dma_wait3A_38 = tpu.memref_slice %arg6[%dma_wait3A_37] : memref<3128xi32, #tpu.memory_space<vmem>> -> memref<400xi32, #tpu.memory_space<vmem>>
    %dma_wait3A_39 = arith.constant 0 : i32
    %dma_wait3A_40 = arith.constant 0 : i32
    %dma_wait3A_41 = tpu.memref_slice %arg5[%dma_wait3A_39, %dma_wait3A_40] : memref<109x128xf32, #tpu.memory_space<vmem_shared>> -> memref<109x128xf32, #tpu.memory_space<vmem_shared>>
    tpu.wait_indirect_dma semaphore(%arg10 : memref<!tpu.dma_semaphore, #tpu.memory_space<semaphore_mem>>) src(%dma_wait3A_41 : memref<109x128xf32, #tpu.memory_space<vmem_shared>>) dst(%arg8 : memref<400x128xf32, #tpu.memory_space<vmem>>)
    %add3A_42 = arith.constant 400 : i32
    %add3A_43 = arith.addi %multiple_of3A, %add3A_42 : i32
    %multiple_of3A_44 = tpu.assume_multiple %add3A_43, 8 : i32
    %dma_start3A_45 = arith.constant 0 : i32
    %dma_start3A_46 = tpu.memref_slice %arg4[%multiple_of3A_44, %dma_start3A_45] : memref<100000x128xf32, #tpu.memory_space<hbm>> -> memref<400x128xf32, #tpu.memory_space<hbm>>
    %dma_start3A_47 = arith.constant 0 : i32
    %dma_start3A_48 = tpu.memref_slice %arg4[%multiple_of3A_44, %dma_start3A_47] : memref<100000x128xf32, #tpu.memory_space<hbm>> -> memref<400x128xf32, #tpu.memory_space<hbm>>
    tpu.enqueue_dma source(%arg8 : memref<400x128xf32, #tpu.memory_space<vmem>>) target(%dma_start3A_48 : memref<400x128xf32, #tpu.memory_space<hbm>>) target_semaphore(%arg12 : memref<!tpu.dma_semaphore, #tpu.memory_space<semaphore_mem>>)
    %dma_wait3A_49 = arith.constant 0 : i32
    %dma_wait3A_50 = arith.constant 0 : i32
    %dma_wait3A_51 = tpu.memref_slice %arg4[%dma_wait3A_49, %dma_wait3A_50] : memref<100000x128xf32, #tpu.memory_space<hbm>> -> memref<400x128xf32, #tpu.memory_space<hbm>>
    %dma_wait3A_52 = arith.constant 0 : i32
    %dma_wait3A_53 = arith.constant 0 : i32
    %dma_wait3A_54 = tpu.memref_slice %arg4[%dma_wait3A_52, %dma_wait3A_53] : memref<100000x128xf32, #tpu.memory_space<hbm>> -> memref<400x128xf32, #tpu.memory_space<hbm>>
    tpu.wait_dma2 semaphore(%arg11 : memref<!tpu.dma_semaphore, #tpu.memory_space<semaphore_mem>>) src(%arg7 : memref<400x128xf32, #tpu.memory_space<vmem>>) dst(%dma_wait3A_54 : memref<400x128xf32, #tpu.memory_space<hbm>>)
    %dma_start3A_55 = arith.constant 800 : i32
    %dma_start3A_56 = tpu.memref_slice %arg6[%dma_start3A_55] : memref<3128xi32, #tpu.memory_space<vmem>> -> memref<400xi32, #tpu.memory_space<vmem>>
    %dma_start3A_57 = arith.constant 0 : i32
    %dma_start3A_58 = arith.constant 0 : i32
    %dma_start3A_59 = tpu.memref_slice %arg5[%dma_start3A_57, %dma_start3A_58] : memref<109x128xf32, #tpu.memory_space<vmem_shared>> -> memref<109x128xf32, #tpu.memory_space<vmem_shared>>
    tpu.enqueue_indirect_dma source(%dma_start3A_59 : memref<109x128xf32, #tpu.memory_space<vmem_shared>>) target(%arg7 : memref<400x128xf32, #tpu.memory_space<vmem>>) offsets(%dma_start3A_56 : memref<400xi32, #tpu.memory_space<vmem>>) semaphore(%arg9 : memref<!tpu.dma_semaphore, #tpu.memory_space<semaphore_mem>>)
    %dma_wait3A_60 = arith.constant 0 : i32
    %dma_wait3A_61 = tpu.memref_slice %arg6[%dma_wait3A_60] : memref<3128xi32, #tpu.memory_space<vmem>> -> memref<400xi32, #tpu.memory_space<vmem>>
    %dma_wait3A_62 = arith.constant 0 : i32
    %dma_wait3A_63 = arith.constant 0 : i32
    %dma_wait3A_64 = tpu.memref_slice %arg5[%dma_wait3A_62, %dma_wait3A_63] : memref<109x128xf32, #tpu.memory_space<vmem_shared>> -> memref<109x128xf32, #tpu.memory_space<vmem_shared>>
    tpu.wait_indirect_dma semaphore(%arg9 : memref<!tpu.dma_semaphore, #tpu.memory_space<semaphore_mem>>) src(%dma_wait3A_64 : memref<109x128xf32, #tpu.memory_space<vmem_shared>>) dst(%arg7 : memref<400x128xf32, #tpu.memory_space<vmem>>)
    %add3A_65 = arith.constant 800 : i32
    %add3A_66 = arith.addi %multiple_of3A, %add3A_65 : i32
    %multiple_of3A_67 = tpu.assume_multiple %add3A_66, 8 : i32
    %dma_start3A_68 = arith.constant 0 : i32
    %dma_start3A_69 = tpu.memref_slice %arg4[%multiple_of3A_67, %dma_start3A_68] : memref<100000x128xf32, #tpu.memory_space<hbm>> -> memref<400x128xf32, #tpu.memory_space<hbm>>
    %dma_start3A_70 = arith.constant 0 : i32
    %dma_start3A_71 = tpu.memref_slice %arg4[%multiple_of3A_67, %dma_start3A_70] : memref<100000x128xf32, #tpu.memory_space<hbm>> -> memref<400x128xf32, #tpu.memory_space<hbm>>
    tpu.enqueue_dma source(%arg7 : memref<400x128xf32, #tpu.memory_space<vmem>>) target(%dma_start3A_71 : memref<400x128xf32, #tpu.memory_space<hbm>>) target_semaphore(%arg11 : memref<!tpu.dma_semaphore, #tpu.memory_space<semaphore_mem>>)
    %dma_wait3A_72 = arith.constant 0 : i32
    %dma_wait3A_73 = arith.constant 0 : i32
    %dma_wait3A_74 = tpu.memref_slice %arg4[%dma_wait3A_72, %dma_wait3A_73] : memref<100000x128xf32, #tpu.memory_space<hbm>> -> memref<400x128xf32, #tpu.memory_space<hbm>>
    %dma_wait3A_75 = arith.constant 0 : i32
    %dma_wait3A_76 = arith.constant 0 : i32
    %dma_wait3A_77 = tpu.memref_slice %arg4[%dma_wait3A_75, %dma_wait3A_76] : memref<100000x128xf32, #tpu.memory_space<hbm>> -> memref<400x128xf32, #tpu.memory_space<hbm>>
    tpu.wait_dma2 semaphore(%arg12 : memref<!tpu.dma_semaphore, #tpu.memory_space<semaphore_mem>>) src(%arg8 : memref<400x128xf32, #tpu.memory_space<vmem>>) dst(%dma_wait3A_77 : memref<400x128xf32, #tpu.memory_space<hbm>>)
    %dma_start3A_78 = arith.constant 1200 : i32
    %dma_start3A_79 = tpu.memref_slice %arg6[%dma_start3A_78] : memref<3128xi32, #tpu.memory_space<vmem>> -> memref<400xi32, #tpu.memory_space<vmem>>
    %dma_start3A_80 = arith.constant 0 : i32
    %dma_start3A_81 = arith.constant 0 : i32
    %dma_start3A_82 = tpu.memref_slice %arg5[%dma_start3A_80, %dma_start3A_81] : memref<109x128xf32, #tpu.memory_space<vmem_shared>> -> memref<109x128xf32, #tpu.memory_space<vmem_shared>>
    tpu.enqueue_indirect_dma source(%dma_start3A_82 : memref<109x128xf32, #tpu.memory_space<vmem_shared>>) target(%arg8 : memref<400x128xf32, #tpu.memory_space<vmem>>) offsets(%dma_start3A_79 : memref<400xi32, #tpu.memory_space<vmem>>) semaphore(%arg10 : memref<!tpu.dma_semaphore, #tpu.memory_space<semaphore_mem>>)
    %dma_wait3A_83 = arith.constant 0 : i32
    %dma_wait3A_84 = tpu.memref_slice %arg6[%dma_wait3A_83] : memref<3128xi32, #tpu.memory_space<vmem>> -> memref<400xi32, #tpu.memory_space<vmem>>
    %dma_wait3A_85 = arith.constant 0 : i32
    %dma_wait3A_86 = arith.constant 0 : i32
    %dma_wait3A_87 = tpu.memref_slice %arg5[%dma_wait3A_85, %dma_wait3A_86] : memref<109x128xf32, #tpu.memory_space<vmem_shared>> -> memref<109x128xf32, #tpu.memory_space<vmem_shared>>
    tpu.wait_indirect_dma semaphore(%arg10 : memref<!tpu.dma_semaphore, #tpu.memory_space<semaphore_mem>>) src(%dma_wait3A_87 : memref<109x128xf32, #tpu.memory_space<vmem_shared>>) dst(%arg8 : memref<400x128xf32, #tpu.memory_space<vmem>>)
    %add3A_88 = arith.constant 1200 : i32
    %add3A_89 = arith.addi %multiple_of3A, %add3A_88 : i32
    %multiple_of3A_90 = tpu.assume_multiple %add3A_89, 8 : i32
    %dma_start3A_91 = arith.constant 0 : i32
    %dma_start3A_92 = tpu.memref_slice %arg4[%multiple_of3A_90, %dma_start3A_91] : memref<100000x128xf32, #tpu.memory_space<hbm>> -> memref<400x128xf32, #tpu.memory_space<hbm>>
    %dma_start3A_93 = arith.constant 0 : i32
    %dma_start3A_94 = tpu.memref_slice %arg4[%multiple_of3A_90, %dma_start3A_93] : memref<100000x128xf32, #tpu.memory_space<hbm>> -> memref<400x128xf32, #tpu.memory_space<hbm>>
    tpu.enqueue_dma source(%arg8 : memref<400x128xf32, #tpu.memory_space<vmem>>) target(%dma_start3A_94 : memref<400x128xf32, #tpu.memory_space<hbm>>) target_semaphore(%arg12 : memref<!tpu.dma_semaphore, #tpu.memory_space<semaphore_mem>>)
    %dma_wait3A_95 = arith.constant 0 : i32
    %dma_wait3A_96 = arith.constant 0 : i32
    %dma_wait3A_97 = tpu.memref_slice %arg4[%dma_wait3A_95, %dma_wait3A_96] : memref<100000x128xf32, #tpu.memory_space<hbm>> -> memref<400x128xf32, #tpu.memory_space<hbm>>
    %dma_wait3A_98 = arith.constant 0 : i32
    %dma_wait3A_99 = arith.constant 0 : i32
    %dma_wait3A_100 = tpu.memref_slice %arg4[%dma_wait3A_98, %dma_wait3A_99] : memref<100000x128xf32, #tpu.memory_space<hbm>> -> memref<400x128xf32, #tpu.memory_space<hbm>>
    tpu.wait_dma2 semaphore(%arg11 : memref<!tpu.dma_semaphore, #tpu.memory_space<semaphore_mem>>) src(%arg7 : memref<400x128xf32, #tpu.memory_space<vmem>>) dst(%dma_wait3A_100 : memref<400x128xf32, #tpu.memory_space<hbm>>)
    %dma_start3A_101 = arith.constant 1600 : i32
    %dma_start3A_102 = tpu.memref_slice %arg6[%dma_start3A_101] : memref<3128xi32, #tpu.memory_space<vmem>> -> memref<400xi32, #tpu.memory_space<vmem>>
    %dma_start3A_103 = arith.constant 0 : i32
    %dma_start3A_104 = arith.constant 0 : i32
    %dma_start3A_105 = tpu.memref_slice %arg5[%dma_start3A_103, %dma_start3A_104] : memref<109x128xf32, #tpu.memory_space<vmem_shared>> -> memref<109x128xf32, #tpu.memory_space<vmem_shared>>
    tpu.enqueue_indirect_dma source(%dma_start3A_105 : memref<109x128xf32, #tpu.memory_space<vmem_shared>>) target(%arg7 : memref<400x128xf32, #tpu.memory_space<vmem>>) offsets(%dma_start3A_102 : memref<400xi32, #tpu.memory_space<vmem>>) semaphore(%arg9 : memref<!tpu.dma_semaphore, #tpu.memory_space<semaphore_mem>>)
    %dma_wait3A_106 = arith.constant 0 : i32
    %dma_wait3A_107 = tpu.memref_slice %arg6[%dma_wait3A_106] : memref<3128xi32, #tpu.memory_space<vmem>> -> memref<400xi32, #tpu.memory_space<vmem>>
    %dma_wait3A_108 = arith.constant 0 : i32
    %dma_wait3A_109 = arith.constant 0 : i32
    %dma_wait3A_110 = tpu.memref_slice %arg5[%dma_wait3A_108, %dma_wait3A_109] : memref<109x128xf32, #tpu.memory_space<vmem_shared>> -> memref<109x128xf32, #tpu.memory_space<vmem_shared>>
    tpu.wait_indirect_dma semaphore(%arg9 : memref<!tpu.dma_semaphore, #tpu.memory_space<semaphore_mem>>) src(%dma_wait3A_110 : memref<109x128xf32, #tpu.memory_space<vmem_shared>>) dst(%arg7 : memref<400x128xf32, #tpu.memory_space<vmem>>)
    %add3A_111 = arith.constant 1600 : i32
    %add3A_112 = arith.addi %multiple_of3A, %add3A_111 : i32
    %multiple_of3A_113 = tpu.assume_multiple %add3A_112, 8 : i32
    %dma_start3A_114 = arith.constant 0 : i32
    %dma_start3A_115 = tpu.memref_slice %arg4[%multiple_of3A_113, %dma_start3A_114] : memref<100000x128xf32, #tpu.memory_space<hbm>> -> memref<400x128xf32, #tpu.memory_space<hbm>>
    %dma_start3A_116 = arith.constant 0 : i32
    %dma_start3A_117 = tpu.memref_slice %arg4[%multiple_of3A_113, %dma_start3A_116] : memref<100000x128xf32, #tpu.memory_space<hbm>> -> memref<400x128xf32, #tpu.memory_space<hbm>>
    tpu.enqueue_dma source(%arg7 : memref<400x128xf32, #tpu.memory_space<vmem>>) target(%dma_start3A_117 : memref<400x128xf32, #tpu.memory_space<hbm>>) target_semaphore(%arg11 : memref<!tpu.dma_semaphore, #tpu.memory_space<semaphore_mem>>)
    %dma_wait3A_118 = arith.constant 0 : i32
    %dma_wait3A_119 = arith.constant 0 : i32
    %dma_wait3A_120 = tpu.memref_slice %arg4[%dma_wait3A_118, %dma_wait3A_119] : memref<100000x128xf32, #tpu.memory_space<hbm>> -> memref<400x128xf32, #tpu.memory_space<hbm>>
    %dma_wait3A_121 = arith.constant 0 : i32
    %dma_wait3A_122 = arith.constant 0 : i32
    %dma_wait3A_123 = tpu.memref_slice %arg4[%dma_wait3A_121, %dma_wait3A_122] : memref<100000x128xf32, #tpu.memory_space<hbm>> -> memref<400x128xf32, #tpu.memory_space<hbm>>
    tpu.wait_dma2 semaphore(%arg12 : memref<!tpu.dma_semaphore, #tpu.memory_space<semaphore_mem>>) src(%arg8 : memref<400x128xf32, #tpu.memory_space<vmem>>) dst(%dma_wait3A_123 : memref<400x128xf32, #tpu.memory_space<hbm>>)
    %dma_start3A_124 = arith.constant 2000 : i32
    %dma_start3A_125 = tpu.memref_slice %arg6[%dma_start3A_124] : memref<3128xi32, #tpu.memory_space<vmem>> -> memref<400xi32, #tpu.memory_space<vmem>>
    %dma_start3A_126 = arith.constant 0 : i32
    %dma_start3A_127 = arith.constant 0 : i32
    %dma_start3A_128 = tpu.memref_slice %arg5[%dma_start3A_126, %dma_start3A_127] : memref<109x128xf32, #tpu.memory_space<vmem_shared>> -> memref<109x128xf32, #tpu.memory_space<vmem_shared>>
    tpu.enqueue_indirect_dma source(%dma_start3A_128 : memref<109x128xf32, #tpu.memory_space<vmem_shared>>) target(%arg8 : memref<400x128xf32, #tpu.memory_space<vmem>>) offsets(%dma_start3A_125 : memref<400xi32, #tpu.memory_space<vmem>>) semaphore(%arg10 : memref<!tpu.dma_semaphore, #tpu.memory_space<semaphore_mem>>)
    %dma_wait3A_129 = arith.constant 0 : i32
    %dma_wait3A_130 = tpu.memref_slice %arg6[%dma_wait3A_129] : memref<3128xi32, #tpu.memory_space<vmem>> -> memref<400xi32, #tpu.memory_space<vmem>>
    %dma_wait3A_131 = arith.constant 0 : i32
    %dma_wait3A_132 = arith.constant 0 : i32
    %dma_wait3A_133 = tpu.memref_slice %arg5[%dma_wait3A_131, %dma_wait3A_132] : memref<109x128xf32, #tpu.memory_space<vmem_shared>> -> memref<109x128xf32, #tpu.memory_space<vmem_shared>>
    tpu.wait_indirect_dma semaphore(%arg10 : memref<!tpu.dma_semaphore, #tpu.memory_space<semaphore_mem>>) src(%dma_wait3A_133 : memref<109x128xf32, #tpu.memory_space<vmem_shared>>) dst(%arg8 : memref<400x128xf32, #tpu.memory_space<vmem>>)
    %add3A_134 = arith.constant 2000 : i32
    %add3A_135 = arith.addi %multiple_of3A, %add3A_134 : i32
    %multiple_of3A_136 = tpu.assume_multiple %add3A_135, 8 : i32
    %dma_start3A_137 = arith.constant 0 : i32
    %dma_start3A_138 = tpu.memref_slice %arg4[%multiple_of3A_136, %dma_start3A_137] : memref<100000x128xf32, #tpu.memory_space<hbm>> -> memref<400x128xf32, #tpu.memory_space<hbm>>
    %dma_start3A_139 = arith.constant 0 : i32
    %dma_start3A_140 = tpu.memref_slice %arg4[%multiple_of3A_136, %dma_start3A_139] : memref<100000x128xf32, #tpu.memory_space<hbm>> -> memref<400x128xf32, #tpu.memory_space<hbm>>
    tpu.enqueue_dma source(%arg8 : memref<400x128xf32, #tpu.memory_space<vmem>>) target(%dma_start3A_140 : memref<400x128xf32, #tpu.memory_space<hbm>>) target_semaphore(%arg12 : memref<!tpu.dma_semaphore, #tpu.memory_space<semaphore_mem>>)
    %dma_wait3A_141 = arith.constant 0 : i32
    %dma_wait3A_142 = arith.constant 0 : i32
    %dma_wait3A_143 = tpu.memref_slice %arg4[%dma_wait3A_141, %dma_wait3A_142] : memref<100000x128xf32, #tpu.memory_space<hbm>> -> memref<400x128xf32, #tpu.memory_space<hbm>>
    %dma_wait3A_144 = arith.constant 0 : i32
    %dma_wait3A_145 = arith.constant 0 : i32
    %dma_wait3A_146 = tpu.memref_slice %arg4[%dma_wait3A_144, %dma_wait3A_145] : memref<100000x128xf32, #tpu.memory_space<hbm>> -> memref<400x128xf32, #tpu.memory_space<hbm>>
    tpu.wait_dma2 semaphore(%arg11 : memref<!tpu.dma_semaphore, #tpu.memory_space<semaphore_mem>>) src(%arg7 : memref<400x128xf32, #tpu.memory_space<vmem>>) dst(%dma_wait3A_146 : memref<400x128xf32, #tpu.memory_space<hbm>>)
    %dma_start3A_147 = arith.constant 2400 : i32
    %dma_start3A_148 = tpu.memref_slice %arg6[%dma_start3A_147] : memref<3128xi32, #tpu.memory_space<vmem>> -> memref<400xi32, #tpu.memory_space<vmem>>
    %dma_start3A_149 = arith.constant 0 : i32
    %dma_start3A_150 = arith.constant 0 : i32
    %dma_start3A_151 = tpu.memref_slice %arg5[%dma_start3A_149, %dma_start3A_150] : memref<109x128xf32, #tpu.memory_space<vmem_shared>> -> memref<109x128xf32, #tpu.memory_space<vmem_shared>>
    tpu.enqueue_indirect_dma source(%dma_start3A_151 : memref<109x128xf32, #tpu.memory_space<vmem_shared>>) target(%arg7 : memref<400x128xf32, #tpu.memory_space<vmem>>) offsets(%dma_start3A_148 : memref<400xi32, #tpu.memory_space<vmem>>) semaphore(%arg9 : memref<!tpu.dma_semaphore, #tpu.memory_space<semaphore_mem>>)
    %dma_wait3A_152 = arith.constant 0 : i32
    %dma_wait3A_153 = tpu.memref_slice %arg6[%dma_wait3A_152] : memref<3128xi32, #tpu.memory_space<vmem>> -> memref<400xi32, #tpu.memory_space<vmem>>
    %dma_wait3A_154 = arith.constant 0 : i32
    %dma_wait3A_155 = arith.constant 0 : i32
    %dma_wait3A_156 = tpu.memref_slice %arg5[%dma_wait3A_154, %dma_wait3A_155] : memref<109x128xf32, #tpu.memory_space<vmem_shared>> -> memref<109x128xf32, #tpu.memory_space<vmem_shared>>
    tpu.wait_indirect_dma semaphore(%arg9 : memref<!tpu.dma_semaphore, #tpu.memory_space<semaphore_mem>>) src(%dma_wait3A_156 : memref<109x128xf32, #tpu.memory_space<vmem_shared>>) dst(%arg7 : memref<400x128xf32, #tpu.memory_space<vmem>>)
    %add3A_157 = arith.constant 2400 : i32
    %add3A_158 = arith.addi %multiple_of3A, %add3A_157 : i32
    %multiple_of3A_159 = tpu.assume_multiple %add3A_158, 8 : i32
    %dma_start3A_160 = arith.constant 0 : i32
    %dma_start3A_161 = tpu.memref_slice %arg4[%multiple_of3A_159, %dma_start3A_160] : memref<100000x128xf32, #tpu.memory_space<hbm>> -> memref<400x128xf32, #tpu.memory_space<hbm>>
    %dma_start3A_162 = arith.constant 0 : i32
    %dma_start3A_163 = tpu.memref_slice %arg4[%multiple_of3A_159, %dma_start3A_162] : memref<100000x128xf32, #tpu.memory_space<hbm>> -> memref<400x128xf32, #tpu.memory_space<hbm>>
    tpu.enqueue_dma source(%arg7 : memref<400x128xf32, #tpu.memory_space<vmem>>) target(%dma_start3A_163 : memref<400x128xf32, #tpu.memory_space<hbm>>) target_semaphore(%arg11 : memref<!tpu.dma_semaphore, #tpu.memory_space<semaphore_mem>>)
    %dma_wait3A_164 = arith.constant 0 : i32
    %dma_wait3A_165 = arith.constant 0 : i32
    %dma_wait3A_166 = tpu.memref_slice %arg4[%dma_wait3A_164, %dma_wait3A_165] : memref<100000x128xf32, #tpu.memory_space<hbm>> -> memref<400x128xf32, #tpu.memory_space<hbm>>
    %dma_wait3A_167 = arith.constant 0 : i32
    %dma_wait3A_168 = arith.constant 0 : i32
    %dma_wait3A_169 = tpu.memref_slice %arg4[%dma_wait3A_167, %dma_wait3A_168] : memref<100000x128xf32, #tpu.memory_space<hbm>> -> memref<400x128xf32, #tpu.memory_space<hbm>>
    tpu.wait_dma2 semaphore(%arg12 : memref<!tpu.dma_semaphore, #tpu.memory_space<semaphore_mem>>) src(%arg8 : memref<400x128xf32, #tpu.memory_space<vmem>>) dst(%dma_wait3A_169 : memref<400x128xf32, #tpu.memory_space<hbm>>)
    %add3A_170 = arith.constant 2800 : i32
    %add3A_171 = arith.addi %multiple_of3A, %add3A_170 : i32
    %multiple_of3A_172 = tpu.assume_multiple %add3A_171, 8 : i32
    %lt3A_173 = arith.constant 20 : i32
    %lt3A_174 = arith.cmpi slt, %add3A, %lt3A_173 : i32
    %convert_element_type3A_175 = arith.extui %lt3A_174 : i1 to i32
    %cond3A_176 = arith.constant 0 : i32
    %cond3A_177 = arith.cmpi ne, %convert_element_type3A_175, %cond3A_176 : i32
    scf.if %cond3A_177 {
      %dma_start3A_199 = arith.constant 0 : i32
      %dma_start3A_200 = arith.constant 0 : i32
      %dma_start3A_201 = tpu.memref_slice %arg8[%dma_start3A_199, %dma_start3A_200] : memref<400x128xf32, #tpu.memory_space<vmem>> -> memref<328x128xf32, #tpu.memory_space<vmem>>
      %dma_start3A_202 = arith.constant 2800 : i32
      %dma_start3A_203 = tpu.memref_slice %arg6[%dma_start3A_202] : memref<3128xi32, #tpu.memory_space<vmem>> -> memref<328xi32, #tpu.memory_space<vmem>>
      %dma_start3A_204 = arith.constant 0 : i32
      %dma_start3A_205 = arith.constant 0 : i32
      %dma_start3A_206 = tpu.memref_slice %arg5[%dma_start3A_204, %dma_start3A_205] : memref<109x128xf32, #tpu.memory_space<vmem_shared>> -> memref<109x128xf32, #tpu.memory_space<vmem_shared>>
      tpu.enqueue_indirect_dma source(%dma_start3A_206 : memref<109x128xf32, #tpu.memory_space<vmem_shared>>) target(%dma_start3A_201 : memref<328x128xf32, #tpu.memory_space<vmem>>) offsets(%dma_start3A_203 : memref<328xi32, #tpu.memory_space<vmem>>) semaphore(%arg10 : memref<!tpu.dma_semaphore, #tpu.memory_space<semaphore_mem>>)
      %dma_wait3A_207 = arith.constant 0 : i32
      %dma_wait3A_208 = arith.constant 0 : i32
      %dma_wait3A_209 = tpu.memref_slice %arg8[%dma_wait3A_207, %dma_wait3A_208] : memref<400x128xf32, #tpu.memory_space<vmem>> -> memref<328x128xf32, #tpu.memory_space<vmem>>
      %dma_wait3A_210 = arith.constant 0 : i32
      %dma_wait3A_211 = tpu.memref_slice %arg6[%dma_wait3A_210] : memref<3128xi32, #tpu.memory_space<vmem>> -> memref<328xi32, #tpu.memory_space<vmem>>
      %dma_wait3A_212 = arith.constant 0 : i32
      %dma_wait3A_213 = arith.constant 0 : i32
      %dma_wait3A_214 = tpu.memref_slice %arg5[%dma_wait3A_212, %dma_wait3A_213] : memref<109x128xf32, #tpu.memory_space<vmem_shared>> -> memref<109x128xf32, #tpu.memory_space<vmem_shared>>
      tpu.wait_indirect_dma semaphore(%arg10 : memref<!tpu.dma_semaphore, #tpu.memory_space<semaphore_mem>>) src(%dma_wait3A_214 : memref<109x128xf32, #tpu.memory_space<vmem_shared>>) dst(%dma_wait3A_209 : memref<328x128xf32, #tpu.memory_space<vmem>>)
      %dma_start3A_215 = arith.constant 0 : i32
      %dma_start3A_216 = arith.constant 0 : i32
      %dma_start3A_217 = tpu.memref_slice %arg8[%dma_start3A_215, %dma_start3A_216] : memref<400x128xf32, #tpu.memory_space<vmem>> -> memref<328x128xf32, #tpu.memory_space<vmem>>
      %dma_start3A_218 = arith.constant 0 : i32
      %dma_start3A_219 = tpu.memref_slice %arg4[%multiple_of3A_172, %dma_start3A_218] : memref<100000x128xf32, #tpu.memory_space<hbm>> -> memref<328x128xf32, #tpu.memory_space<hbm>>
      %dma_start3A_220 = arith.constant 0 : i32
      %dma_start3A_221 = tpu.memref_slice %arg4[%multiple_of3A_172, %dma_start3A_220] : memref<100000x128xf32, #tpu.memory_space<hbm>> -> memref<328x128xf32, #tpu.memory_space<hbm>>
      %dma_start3A_222 = arith.constant 0 : i32
      %dma_start3A_223 = arith.constant 0 : i32
      %dma_start3A_224 = tpu.memref_slice %arg8[%dma_start3A_222, %dma_start3A_223] : memref<400x128xf32, #tpu.memory_space<vmem>> -> memref<328x128xf32, #tpu.memory_space<vmem>>
      tpu.enqueue_dma source(%dma_start3A_224 : memref<328x128xf32, #tpu.memory_space<vmem>>) target(%dma_start3A_221 : memref<328x128xf32, #tpu.memory_space<hbm>>) target_semaphore(%arg12 : memref<!tpu.dma_semaphore, #tpu.memory_space<semaphore_mem>>)
    } else {
    }
    %ge3A_178 = arith.constant 20 : i32
    %ge3A_179 = arith.cmpi sge, %add3A, %ge3A_178 : i32
    %convert_element_type3A_180 = arith.extui %ge3A_179 : i1 to i32
    %cond3A_181 = arith.constant 0 : i32
    %cond3A_182 = arith.cmpi ne, %convert_element_type3A_180, %cond3A_181 : i32
    scf.if %cond3A_182 {
      %dma_start3A_199 = arith.constant 0 : i32
      %dma_start3A_200 = arith.constant 0 : i32
      %dma_start3A_201 = tpu.memref_slice %arg8[%dma_start3A_199, %dma_start3A_200] : memref<400x128xf32, #tpu.memory_space<vmem>> -> memref<320x128xf32, #tpu.memory_space<vmem>>
      %dma_start3A_202 = arith.constant 2800 : i32
      %dma_start3A_203 = tpu.memref_slice %arg6[%dma_start3A_202] : memref<3128xi32, #tpu.memory_space<vmem>> -> memref<320xi32, #tpu.memory_space<vmem>>
      %dma_start3A_204 = arith.constant 0 : i32
      %dma_start3A_205 = arith.constant 0 : i32
      %dma_start3A_206 = tpu.memref_slice %arg5[%dma_start3A_204, %dma_start3A_205] : memref<109x128xf32, #tpu.memory_space<vmem_shared>> -> memref<109x128xf32, #tpu.memory_space<vmem_shared>>
      tpu.enqueue_indirect_dma source(%dma_start3A_206 : memref<109x128xf32, #tpu.memory_space<vmem_shared>>) target(%dma_start3A_201 : memref<320x128xf32, #tpu.memory_space<vmem>>) offsets(%dma_start3A_203 : memref<320xi32, #tpu.memory_space<vmem>>) semaphore(%arg10 : memref<!tpu.dma_semaphore, #tpu.memory_space<semaphore_mem>>)
      %dma_wait3A_207 = arith.constant 0 : i32
      %dma_wait3A_208 = arith.constant 0 : i32
      %dma_wait3A_209 = tpu.memref_slice %arg8[%dma_wait3A_207, %dma_wait3A_208] : memref<400x128xf32, #tpu.memory_space<vmem>> -> memref<320x128xf32, #tpu.memory_space<vmem>>
      %dma_wait3A_210 = arith.constant 0 : i32
      %dma_wait3A_211 = tpu.memref_slice %arg6[%dma_wait3A_210] : memref<3128xi32, #tpu.memory_space<vmem>> -> memref<320xi32, #tpu.memory_space<vmem>>
      %dma_wait3A_212 = arith.constant 0 : i32
      %dma_wait3A_213 = arith.constant 0 : i32
      %dma_wait3A_214 = tpu.memref_slice %arg5[%dma_wait3A_212, %dma_wait3A_213] : memref<109x128xf32, #tpu.memory_space<vmem_shared>> -> memref<109x128xf32, #tpu.memory_space<vmem_shared>>
      tpu.wait_indirect_dma semaphore(%arg10 : memref<!tpu.dma_semaphore, #tpu.memory_space<semaphore_mem>>) src(%dma_wait3A_214 : memref<109x128xf32, #tpu.memory_space<vmem_shared>>) dst(%dma_wait3A_209 : memref<320x128xf32, #tpu.memory_space<vmem>>)
      %dma_start3A_215 = arith.constant 0 : i32
      %dma_start3A_216 = arith.constant 0 : i32
      %dma_start3A_217 = tpu.memref_slice %arg8[%dma_start3A_215, %dma_start3A_216] : memref<400x128xf32, #tpu.memory_space<vmem>> -> memref<320x128xf32, #tpu.memory_space<vmem>>
      %dma_start3A_218 = arith.constant 0 : i32
      %dma_start3A_219 = tpu.memref_slice %arg4[%multiple_of3A_172, %dma_start3A_218] : memref<100000x128xf32, #tpu.memory_space<hbm>> -> memref<320x128xf32, #tpu.memory_space<hbm>>
      %dma_start3A_220 = arith.constant 0 : i32
      %dma_start3A_221 = tpu.memref_slice %arg4[%multiple_of3A_172, %dma_start3A_220] : memref<100000x128xf32, #tpu.memory_space<hbm>> -> memref<320x128xf32, #tpu.memory_space<hbm>>
      %dma_start3A_222 = arith.constant 0 : i32
      %dma_start3A_223 = arith.constant 0 : i32
      %dma_start3A_224 = tpu.memref_slice %arg8[%dma_start3A_222, %dma_start3A_223] : memref<400x128xf32, #tpu.memory_space<vmem>> -> memref<320x128xf32, #tpu.memory_space<vmem>>
      tpu.enqueue_dma source(%dma_start3A_224 : memref<320x128xf32, #tpu.memory_space<vmem>>) target(%dma_start3A_221 : memref<320x128xf32, #tpu.memory_space<hbm>>) target_semaphore(%arg12 : memref<!tpu.dma_semaphore, #tpu.memory_space<semaphore_mem>>)
    } else {
    }
    %dma_wait3A_183 = arith.constant 0 : i32
    %dma_wait3A_184 = arith.constant 0 : i32
    %dma_wait3A_185 = tpu.memref_slice %arg4[%dma_wait3A_183, %dma_wait3A_184] : memref<100000x128xf32, #tpu.memory_space<hbm>> -> memref<400x128xf32, #tpu.memory_space<hbm>>
    %dma_wait3A_186 = arith.constant 0 : i32
    %dma_wait3A_187 = arith.constant 0 : i32
    %dma_wait3A_188 = tpu.memref_slice %arg4[%dma_wait3A_186, %dma_wait3A_187] : memref<100000x128xf32, #tpu.memory_space<hbm>> -> memref<400x128xf32, #tpu.memory_space<hbm>>
    tpu.wait_dma2 semaphore(%arg11 : memref<!tpu.dma_semaphore, #tpu.memory_space<semaphore_mem>>) src(%arg7 : memref<400x128xf32, #tpu.memory_space<vmem>>) dst(%dma_wait3A_188 : memref<400x128xf32, #tpu.memory_space<hbm>>)
    %lt3A_189 = arith.constant 20 : i32
    %lt3A_190 = arith.cmpi slt, %add3A, %lt3A_189 : i32
    %convert_element_type3A_191 = arith.extui %lt3A_190 : i1 to i32
    %cond3A_192 = arith.constant 0 : i32
    %cond3A_193 = arith.cmpi ne, %convert_element_type3A_191, %cond3A_192 : i32
    scf.if %cond3A_193 {
      %dma_wait3A_199 = arith.constant 0 : i32
      %dma_wait3A_200 = arith.constant 0 : i32
      %dma_wait3A_201 = tpu.memref_slice %arg8[%dma_wait3A_199, %dma_wait3A_200] : memref<400x128xf32, #tpu.memory_space<vmem>> -> memref<328x128xf32, #tpu.memory_space<vmem>>
      %dma_wait3A_202 = arith.constant 0 : i32
      %dma_wait3A_203 = arith.constant 0 : i32
      %dma_wait3A_204 = tpu.memref_slice %arg4[%dma_wait3A_202, %dma_wait3A_203] : memref<100000x128xf32, #tpu.memory_space<hbm>> -> memref<328x128xf32, #tpu.memory_space<hbm>>
      %dma_wait3A_205 = arith.constant 0 : i32
      %dma_wait3A_206 = arith.constant 0 : i32
      %dma_wait3A_207 = tpu.memref_slice %arg4[%dma_wait3A_205, %dma_wait3A_206] : memref<100000x128xf32, #tpu.memory_space<hbm>> -> memref<328x128xf32, #tpu.memory_space<hbm>>
      %dma_wait3A_208 = arith.constant 0 : i32
      %dma_wait3A_209 = arith.constant 0 : i32
      %dma_wait3A_210 = tpu.memref_slice %arg8[%dma_wait3A_208, %dma_wait3A_209] : memref<400x128xf32, #tpu.memory_space<vmem>> -> memref<328x128xf32, #tpu.memory_space<vmem>>
      tpu.wait_dma2 semaphore(%arg12 : memref<!tpu.dma_semaphore, #tpu.memory_space<semaphore_mem>>) src(%dma_wait3A_210 : memref<328x128xf32, #tpu.memory_space<vmem>>) dst(%dma_wait3A_207 : memref<328x128xf32, #tpu.memory_space<hbm>>)
    } else {
    }
    %ge3A_194 = arith.constant 20 : i32
    %ge3A_195 = arith.cmpi sge, %add3A, %ge3A_194 : i32
    %convert_element_type3A_196 = arith.extui %ge3A_195 : i1 to i32
    %cond3A_197 = arith.constant 0 : i32
    %cond3A_198 = arith.cmpi ne, %convert_element_type3A_196, %cond3A_197 : i32
    scf.if %cond3A_198 {
      %dma_wait3A_199 = arith.constant 0 : i32
      %dma_wait3A_200 = arith.constant 0 : i32
      %dma_wait3A_201 = tpu.memref_slice %arg8[%dma_wait3A_199, %dma_wait3A_200] : memref<400x128xf32, #tpu.memory_space<vmem>> -> memref<320x128xf32, #tpu.memory_space<vmem>>
      %dma_wait3A_202 = arith.constant 0 : i32
      %dma_wait3A_203 = arith.constant 0 : i32
      %dma_wait3A_204 = tpu.memref_slice %arg4[%dma_wait3A_202, %dma_wait3A_203] : memref<100000x128xf32, #tpu.memory_space<hbm>> -> memref<320x128xf32, #tpu.memory_space<hbm>>
      %dma_wait3A_205 = arith.constant 0 : i32
      %dma_wait3A_206 = arith.constant 0 : i32
      %dma_wait3A_207 = tpu.memref_slice %arg4[%dma_wait3A_205, %dma_wait3A_206] : memref<100000x128xf32, #tpu.memory_space<hbm>> -> memref<320x128xf32, #tpu.memory_space<hbm>>
      %dma_wait3A_208 = arith.constant 0 : i32
      %dma_wait3A_209 = arith.constant 0 : i32
      %dma_wait3A_210 = tpu.memref_slice %arg8[%dma_wait3A_208, %dma_wait3A_209] : memref<400x128xf32, #tpu.memory_space<vmem>> -> memref<320x128xf32, #tpu.memory_space<vmem>>
      tpu.wait_dma2 semaphore(%arg12 : memref<!tpu.dma_semaphore, #tpu.memory_space<semaphore_mem>>) src(%dma_wait3A_210 : memref<320x128xf32, #tpu.memory_space<vmem>>) dst(%dma_wait3A_207 : memref<320x128xf32, #tpu.memory_space<hbm>>)
    } else {
    }
    return
  }
}

</mosaic_0001>

<sc_bundles>
// kernel: kernel.3.cloned.1.call-start
scs
__scs_entry_jumppad:
0x0: {  	(pc) =	sbr.rel $0x88, $3  }
0x1: {  	(tag) =	ssettag $0x0;
	lr =	simm.s32 $0x1  }
0x2: {  	[smem:$0x3F9F] =	sst lr;
	_ =	strace $0xD0000000  }
0x3: {  	_ = 	snop  }
0x4: {  	_ = 	snop  }
0x5: {  	_ = 	snop  }
0x6: {  	_ = 	snop  }
0x7: {  	_ = 	snop  }
__scs_overlays_trampoline_lowered:
0x8: {  	[smem:$0x3FAE] =	sst s0  }
0x9: {  	[smem:$0x3FAF] =	sst s1  }
0xa: {  	[smem:$0x3FB0] =	sst s2  }
0xb: {  	[smem:$0x3FB1] =	sst s3  }
0xc: {  	[smem:$0x3FB2] =	sst s4  }
0xd: {  	[smem:$0x3FB3] =	sst s5  }
0xe: {  	[smem:$0x3FB4] =	sst s6  }
0xf: {  	[smem:$0x3FB5] =	sst s7  }
0x10: {  	[smem:$0x3FB6] =	sst s8  }
0x11: {  	[smem:$0x3FB7] =	sst s9;
	s0 =	simm.s32 @!p0 $0x0  }
0x12: {  	s1 =	sld [smem:$0x3F9D];
	s0 =	simm.s32 @p0 $0x1  }
0x13: {  	[smem:$0x3FB8] =	sst s0;
	s0 =	simm.s32 @!p1 $0x0  }
0x14: {  	s2 =	sld [smem:$0x3F9C];
	s0 =	simm.s32 @p1 $0x1  }
0x15: {  	[smem:$0x3FB9] =	sst s0;
	s0 =	simm.s32 @!p2 $0x0  }
0x16: {  	s3 =	sld [smem:$0x3FDB];
	s0 =	simm.s32 @p2 $0x1  }
0x17: {  	s4 =	simm.s32 $0x1BF5;
	[smem:$0x3FBB] =	sst s0  }
0x18: {  	s0 =	sld [smem:$0x3F9E];
	_ =	swait.ge [sflag:s4], $0x0  }
0x19: {  	s7 =	sld [smem:$0x3F9F]  }
0x1a: {  	s8 =	sadd.s32 $0xFFFFE003, lr  }
0x1b: {  	s9 =	sadd.s32 $0xFFFFFEF7, lr;
	s5 =	simm.s32 $0xFFFFFFFF;
	p2 =	slt.u32 s8, $0xFFFFF086  }
0x1c: {  	p1 =	slt.u32 s9, $0xF7A;
	s5 =	simm.s32 @!p2 $0x0  }
0x1d: {  	s5 =	simm.s32 @p1 $0x1;
	p0 =	seq.s32 s7, s2  }
0x1e: {  	s7 =	smul.u32 @!p0 $0xF7A, s2;
	p2 =	seq.s32 @!p0 s5, $0x0  }
0x1f: {  	s9 =	smul.u32 $0xF7A, s1;
	s8 =	simm.s32 @!p0 $0x1BF5;
	p2 =	por !p2, p0  }
0x20: {  	[sflag:s8] =	ssyncset.s32 @!p0 $0xFFFFF086;
	s6 =	sadd.s32 @!p0 s3, s7;
	s7 =	simm.s32 @!p0 $0x108  }
0x21: {  	s3 =	sadd.s32 s3, s9;
	s6 =	sadd.s32 @!p0 $0x88, s6;
	s7 =	simm.s32 @p2 $0x1082  }
0x22: {  	[simem:s7], [sflag:s8] =	dma.local @!p0 [hbm:s6], $0xF7A  }
0x23: {  	s9 =	sor.u32 $0xD0000000, s2;
	s6 =	simm.s32 $0x108;
	_ =	swait.ge @!p0 [sflag:s8], $0x0  }
0x24: {  	s3 =	sadd.s32 $0x88, s3;
	s6 =	simm.s32 @!p1 $0x1082;
	[sflag:s4] =	ssyncset.s32 $0xFFFFF086  }
0x25: {  	[simem:s6], [sflag:s4] =	dma.local [hbm:s3], $0xF7A  }
0x26: {  	[smem:$0x3F9F] =	sst s1;
	(tag) =	ssettag s2;
	_ =	strace s9  }
0x27: {  	s1 =	sld [smem:$0x3FAF]  }
0x28: {  	s2 =	sld [smem:$0x3FB0]  }
0x29: {  	s4 =	sld [smem:$0x3FB2]  }
0x2a: {  	p0 =	seq.s32 s5, $0x0;
	s5 =	sld [smem:$0x3FB3]  }
0x2b: {  	s6 =	sld [smem:$0x3FB4]  }
0x2c: {  	s7 =	sld [smem:$0x3FB5]  }
0x2d: {  	s3 =	simm.s32 $0x108;
	s8 =	sld [smem:$0x3FB6]  }
0x2e: {  	s3 =	simm.s32 @!p0 $0x1082;
	s9 =	sld [smem:$0x3FB7]  }
0x2f: {  	lr =	sadd.s32 s0, s3;
	s0 =	sld [smem:$0x3FAE]  }
0x30: {  	s3 =	sld [smem:$0x3FB1]  }
0x31: {  	[smem:$0x3FBA] =	sst s10  }
0x32: {  	s10 =	sld [smem:$0x3FB8];
	_ =	sdelay $0x3  }
0x33: {  	p0 =	seq.s32 s10, $0x1;
	s10 =	sld [smem:$0x3FBA];
	_ =	sdelay $0x3  }
0x34: {  	[smem:$0x3FBA] =	sst s10  }
0x35: {  	s10 =	sld [smem:$0x3FB9];
	_ =	sdelay $0x3  }
0x36: {  	p1 =	seq.s32 s10, $0x1;
	s10 =	sld [smem:$0x3FBA];
	_ =	sdelay $0x3  }
0x37: {  	[smem:$0x3FBA] =	sst s10  }
0x38: {  	s10 =	sld [smem:$0x3FBB]  }
0x39: {  	_ = 	snop;
	(pc) =	sbr.ind lr, $3  }
0x3a: {  	_ = 	snop  }
0x3b: {  	_ = 	snop  }
0x3c: {  	p2 =	seq.s32 s10, $0x1;
	s10 =	sld [smem:$0x3FBA]  }
0x3d: {  	_ =	shalt  }
0x3e: {  	_ =	shalt  }
0x3f: {  	_ =	shalt  }
0x40: {  	_ =	shalt  }
0x41: {  	_ =	shalt  }
0x42: {  	_ =	shalt  }
0x43: {  	_ =	shalt  }
0x44: {  	_ =	shalt  }
0x45: {  	_ =	shalt  }
0x46: {  	_ =	shalt  }
0x47: {  	_ =	shalt  }
0x48: {  	_ =	shalt  }
0x49: {  	_ =	shalt  }
0x4a: {  	_ =	shalt  }
0x4b: {  	_ =	shalt  }
0x4c: {  	_ =	shalt  }
0x4d: {  	_ =	shalt  }
0x4e: {  	_ =	shalt  }
0x4f: {  	_ =	shalt  }
0x50: {  	_ =	shalt  }
0x51: {  	_ =	shalt  }
0x52: {  	_ =	shalt  }
0x53: {  	_ =	shalt  }
0x54: {  	_ =	shalt  }
0x55: {  	_ =	shalt  }
0x56: {  	_ =	shalt  }
0x57: {  	_ =	shalt  }
0x58: {  	_ =	shalt  }
0x59: {  	_ =	shalt  }
0x5a: {  	_ =	shalt  }
0x5b: {  	_ =	shalt  }
0x5c: {  	_ =	shalt  }
0x5d: {  	_ =	shalt  }
0x5e: {  	_ =	shalt  }
0x5f: {  	_ =	shalt  }
0x60: {  	_ =	shalt  }
0x61: {  	_ =	shalt  }
0x62: {  	_ =	shalt  }
0x63: {  	_ =	shalt  }
0x64: {  	_ =	shalt  }
0x65: {  	_ =	shalt  }
0x66: {  	_ =	shalt  }
0x67: {  	_ =	shalt  }
0x68: {  	_ =	shalt  }
0x69: {  	_ =	shalt  }
0x6a: {  	_ =	shalt  }
0x6b: {  	_ =	shalt  }
0x6c: {  	_ =	shalt  }
0x6d: {  	_ =	shalt  }
0x6e: {  	_ =	shalt  }
0x6f: {  	_ =	shalt  }
0x70: {  	_ =	shalt  }
0x71: {  	_ =	shalt  }
0x72: {  	_ =	shalt  }
0x73: {  	_ =	shalt  }
0x74: {  	_ =	shalt  }
0x75: {  	_ =	shalt  }
0x76: {  	_ =	shalt  }
0x77: {  	_ =	shalt  }
0x78: {  	_ =	shalt  }
0x79: {  	_ =	shalt  }
0x7a: {  	_ =	shalt  }
0x7b: {  	_ =	shalt  }
0x7c: {  	_ =	shalt  }
0x7d: {  	_ =	shalt  }
0x7e: {  	_ =	shalt  }
0x7f: {  	_ =	shalt  }
0x80: {  	_ =	shalt  }
0x81: {  	_ =	shalt  }
0x82: {  	_ =	shalt  }
0x83: {  	_ =	shalt  }
0x84: {  	_ =	shalt  }
0x85: {  	_ =	shalt  }
0x86: {  	_ =	shalt  }
0x87: {  	_ =	shalt  }
.Lfunc_end0:
.L_simem_size_0:
called_computation_lowered:
.L_overlay_start_0:
0x88: {  	s2 =	sld [smem:$0x3FD9]  }
0x89: {  	s3 =	sld [smem:$0x3FFE];
	_ =	sdelay $0x1  }
0x8a: {  	s1 =	srdreg.scid  }
0x8b: {  	s0 =	sand.u32 $0x1, s1  }
0x8c: {  	s18 =	sshll.u32 s0, $0xA;
	s2 =	sadd.s32 s3, s2  }
0x8d: {  	s2 =	sadd.s32 s2, s18  }
0x8e: {  	[smem:$0x3FC6] =	sst s2  }
0x8f: {  	_ = 	snop  }
0x90: {  	s2 =	sld [smem:$0x3FC9]  }
0x91: {  	s19 =	sld [smem:$0x3FC8]  }
0x92: {  	s4 =	sld [smem:$0x3FD0];
	(tm) =	ssettm $0x1  }
0x93: {  	s5 =	sld [smem:$0x3FFB];
	_ =	sdelay $0x3  }
0x94: {  	_ =	strace s5  }
0x95: {  	s5 =	sld [smem:$0x3FFC];
	_ =	sdelay $0x3  }
0x96: {  	_ =	strace s5  }
0x97: {  	s5 =	sld [smem:$0x3FFD];
	_ =	sdelay $0x3  }
0x98: {  	_ =	strace s5  }
0x99: {  	_ =	strace $0x8FFFFFFF  }
0x9a: {  	s20 =	sld [smem:$0x3FDB];
	_ =	sdelay $0x1  }
0x9b: {  	s6 =	simm.s32 $_scs_section_size  }
0x9c: {  	s7 =	simm.s32 $_size__tile_overlayer_lowered;
	s8 =	simm.s32 $_tile_overlayer_lowered  }
0x9d: {  	s23 =	simm.s32 $0x1BFF;
	s22 =	sshll.u32 s8, $0x1;
	s5 =	sadd.s32 s6, s20  }
0x9e: {  	s9 =	simm.s32 $0x0;
	s21 =	sshll.u32 s7, $0x1;
	s7 =	sadd.s32 s22, s5  }
0x9f: {  	[timem:s9], [sflag:s23] =	dma.local [hbm:s7], s21  }
0xa0: {  	_ =	swait.ge [sflag:s23], s21  }
0xa1: {  	s6 =	ssub.s32 $0x0, s21;
	[sflag:s23] =	ssyncset.done $0x0  }
0xa2: {  	[sflag:s23] =	ssyncadd.s32 s6;
	_ =	sdelay $0x1  }
0xa3: {  	s24 =	simm.s32 $0x1B8B  }
0xa4: {  	_ =	swait.ge [sflag:s24], $0x1  }
0xa5: {  	[sflag:s24] =	ssyncset.done $0x0  }
0xa6: {  	s25 =	simm.s32 $0x1B8E;
	[sflag:s24] =	ssyncadd.s32 $0xFFFFFFFF  }
0xa7: {  	s26 =	simm.s32 $execute0_lowered;
	[smem:$0x3FD2] =	sst s25  }
0xa8: {  	s6 =	sshll.u32 s26, $0x1;
	_ =	strace $0x80000046;
	[dreg:$0x1] =	wrdreg $0xFFFFFFFF  }
0xa9: {  	s28 =	simm.s32 $_size_execute0_lowered;
	s5 =	sadd.s32 s5, s6;
	[dreg:$0x0] =	wrdreg $0x0  }
0xaa: {  	s6 =	sshll.u32 s28, $0x1;
	[dreg:$0x2] =	wrdreg s5  }
0xab: {  	[dreg:$0x3] =	wrdreg s6  }
0xac: {  	[dreg:$0x4] =	wrdreg $0xC0  }
0xad: {  	_ =	task [dreg:s9], $0x5FFFF  }
0xae: {  	[dreg:$0x1] =	wrdreg $0xFFFFFFFF  }
0xaf: {  	[dreg:$0x0] =	wrdreg $0x60  }
0xb0: {  	[dreg:$0x2] =	wrdreg s19  }
0xb1: {  	[dreg:$0x3] =	wrdreg s2  }
0xb2: {  	[dreg:$0x4] =	wrdreg s4  }
0xb3: {  	[dreg:$0x5] =	wrdreg $0x0  }
0xb4: {  	[dreg:$0x6] =	wrdreg $0x9  }
0xb5: {  	_ =	task.clear_ibuf [dreg:s9], $0x7FFFF;
	_ =	strace $0x90000046  }
0xb6: {  	s29 =	simm.s32 $0x9;
	_ =	strace $0x80000048  }
0xb7: {  	_ =	swait.ge [sflag:s29], $0x1  }
0xb8: {  	[sflag:s29] =	ssyncadd.s32 $0xFFFFFFFF  }
0xb9: {  	_ =	strace $0x90000048  }
0xba: {  	_ =	sfence  }
0xbb: {  	s30 =	sld [smem:$0x0];
	_ =	sdelay $0x2  }
0xbc: {  	s31 =	sshll.u32 s1, $0xD;
	s1 =	sshrl.u32 s1, $0x2  }
0xbd: {  	s3 =	sand.u32 $0x4000, s31;
	s1 =	sadd.s32 s1, s30  }
0xbe: {  	s0 =	sor.u32 s3, s0;
	s1 =	sshll.u32 s1, $0x11  }
0xbf: {  	s0 =	sor.u32 s1, s0  }
0xc0: {  	s0 =	sadd.s32 $0x8F2B, s0  }
0xc1: {  	[sflag:s0] =	ssyncadd.remote.s32 $0x1  }
0xc2: {  	_ =	sfence.sel $0xFFFF  }
0xc3: {  	[dreg:$0x0] =	wrdreg $0xFFFFFFFF;
	(pc) =	sbr.abs _section_cstart, $3  }
0xc4: {  	[dreg:$0x1] =	wrdreg $0xFFFFFFFF  }
0xc5: {  	_ =	task.clear_ibuf [dreg:s9], $0x2FFFF;
	_ =	strace $0x9FFFFFFF  }
0xc6: {  	(tm) =	ssettm $0x7FFFFFFF  }
0xc7: {  	_ =	shalt  }
tec
execute0_lowered:
.L_overlay_start_1:
0x0: {  	(tag) =	ssettag $0x1  }
0x1: {  	s1 =	srdreg.scid  }
0x2: {  	s25 =	stileid.u32;
	s5 =	rddreg [dreg:$0x1]  }
0x3: {  	s4 =	rddreg [dreg:$0x2];
	s16 =	simm.s32 $0x5;
	s17 =	simm.s32 $0x368  }
0x4: {  	s18 =	simm.s32 $0x6;
	s19 =	simm.s32 $0x190;
	s20 =	simm.s32 $0xFE8  }
0x5: {  	s21 =	simm.s32 $0x1;
	s22 =	simm.s32 $0x4F8;
	s23 =	simm.s32 $0xD7E8  }
0x6: {  	s24 =	simm.s32 $0x2;
	s26 =	simm.s32 $0x688;
	s28 =	simm.s32 $0x4  }
0x7: {  	s29 =	simm.s32 $0x818;
	s30 =	simm.s32 $0x9A8;
	s31 =	simm.s32 $0xB38  }
0x8: {  	s1 =	sand.u32 $0x1, s1;
	s2 =	sshll.u32 s25, $0x1;
	p0 =	sne.s32 s25, $0x0  }
0x9: {  	p1 =	sgt.u32 s25, $0x9;
	s25 =	simm.s32 $0x3;
	s3 =	sor.u32 s1, s2  }
0xa: {  	s2 =	rddreg [dreg:$0x3];
	s1 =	ssub.s32 $0x2, s1;
	s6 =	smul.u32 $0xC30, s3  }
0xb: {  	s7 =	smin.u32 s3, $0x14;
	s3 =	simm.s32 $0x0;
	s8 =	sshrl.u32 s1, $0x1  }
0xc: {  	s0 =	sshrl.u32 s2, $0x3;
	s7 =	sshll.u32 s7, $0x3;
	[smem:$0x7FF] =	sst s3  }
0xd: {  	s1 =	ssub.s32 s1, s8;
	s6 =	sadd.s32 s6, s7;
	_ =	strace $0x80000047  }
.Ltmp0:
0xe: {  	s13 =	smax.u32 s1, $0x1;
	s7 =	sshll.u32 s6, $0x4;
	(pc) =	sbr.rel .LBB2_1-.Ltmp0, $4  }
0xf: {  	[dreg:$0x5] =	wrdreg s0;
	s6 =	sshrl.u32 s6, $0x3;
	s4 =	sadd.s32 s4, s7  }
0x10: {  	s1 =	simm.s32 $0xCC8;
	s5 =	sadd.s32 s5, s6;
	s6 =	sadd.s32 $0x1900, s4  }
0x11: {  	s7 =	sadd.s32 $0x3200, s4;
	s8 =	sadd.s32 $0x4B00, s4;
	s9 =	sadd.s32 $0x6400, s4  }
0x12: {  	s10 =	sadd.s32 $0x7D00, s4;
	s11 =	sadd.s32 $0x9600, s4;
	s12 =	sadd.s32 $0xAF00, s4  }
.LBB2_5:
0x13: {  	[tilespmem:s17], [sflag:$0x6] =	stream.linear.gather [hbm4b:s5+s3], $0xC30, $0x38;
	[tilespmem:$0x19FE8] =	vst v63  }
0x14: {  	_ =	swait.ge [sflag:s18], $0xC30  }
0x15: {  	[sflag:s18] =	ssyncset.done $0x0  }
0x16: {  	p3 =	por $0x0, $0x0;
	p2 =	por $0x1, $0x1;
	[sflag:s18] =	ssyncadd.s32 $0xFFFFF3D0  }
.LBB2_6:
0x17: {  	[bflag:$0x0] =	sbarrier.arrive $0xFFFF  }
0x18: {  	[tilespmem:s20], [sflag:$0x1] =	stream.indirect.gather [spmem:s2], $0x80, s17, s19, $0xb8;
	[tilespmem:$0x19FE8] =	vst v63  }
0x19: {  	_ =	swait.ge [sflag:s21], $0xC800  }
0x1a: {  	[sflag:s21] =	ssyncset.done $0x0  }
0x1b: {  	[sflag:s21] =	ssyncadd.s32 $0xFFFF3800  }
0x1c: {  	[hbm4b:s4+s3] =	stream.linear.scatter [tilespmem:s20], [sflag:$0x3], $0xC800, $0x38;
	[tilespmem:$0x19FE8] =	vst v63  }
0x1d: {  	_ = 	snop  }
0x1e: {  	[tilespmem:s23], [sflag:$0x2] =	stream.indirect.gather [spmem:s2], $0x80, s22, s19, $0xb8;
	[tilespmem:$0x19FE8] =	vst v63  }
0x1f: {  	_ =	swait.ge [sflag:s24], $0xC800  }
0x20: {  	[sflag:s24] =	ssyncset.done $0x0  }
0x21: {  	[sflag:s24] =	ssyncadd.s32 $0xFFFF3800  }
0x22: {  	[hbm4b:s6+s3] =	stream.linear.scatter [tilespmem:s23], [sflag:$0x4], $0xC800, $0x38;
	[tilespmem:$0x19FE8] =	vst v63  }
0x23: {  	_ =	swait.ge [sflag:s25], $0xC800  }
0x24: {  	[sflag:s25] =	ssyncset.done $0x0  }
0x25: {  	[sflag:s25] =	ssyncadd.s32 $0xFFFF3800  }
0x26: {  	[tilespmem:s20], [sflag:$0x1] =	stream.indirect.gather [spmem:s2], $0x80, s26, s19, $0xb8;
	[tilespmem:$0x19FE8] =	vst v63  }
0x27: {  	_ =	swait.ge [sflag:s21], $0xC800  }
0x28: {  	[sflag:s21] =	ssyncset.done $0x0  }
0x29: {  	[sflag:s21] =	ssyncadd.s32 $0xFFFF3800  }
0x2a: {  	[hbm4b:s7+s3] =	stream.linear.scatter [tilespmem:s20], [sflag:$0x3], $0xC800, $0x38;
	[tilespmem:$0x19FE8] =	vst v63  }
0x2b: {  	_ =	swait.ge [sflag:s28], $0xC800  }
0x2c: {  	[sflag:s28] =	ssyncset.done $0x0  }
0x2d: {  	[sflag:s28] =	ssyncadd.s32 $0xFFFF3800  }
0x2e: {  	[tilespmem:s23], [sflag:$0x2] =	stream.indirect.gather [spmem:s2], $0x80, s29, s19, $0xb8;
	[tilespmem:$0x19FE8] =	vst v63  }
0x2f: {  	_ =	swait.ge [sflag:s24], $0xC800  }
0x30: {  	[sflag:s24] =	ssyncset.done $0x0  }
0x31: {  	[sflag:s24] =	ssyncadd.s32 $0xFFFF3800  }
0x32: {  	[hbm4b:s8+s3] =	stream.linear.scatter [tilespmem:s23], [sflag:$0x4], $0xC800, $0x38;
	[tilespmem:$0x19FE8] =	vst v63  }
0x33: {  	_ =	swait.ge [sflag:s25], $0xC800  }
0x34: {  	[sflag:s25] =	ssyncset.done $0x0  }
0x35: {  	[sflag:s25] =	ssyncadd.s32 $0xFFFF3800  }
0x36: {  	[tilespmem:s20], [sflag:$0x1] =	stream.indirect.gather [spmem:s2], $0x80, s30, s19, $0xb8;
	[tilespmem:$0x19FE8] =	vst v63  }
0x37: {  	_ =	swait.ge [sflag:s21], $0xC800  }
0x38: {  	[sflag:s21] =	ssyncset.done $0x0  }
0x39: {  	[sflag:s21] =	ssyncadd.s32 $0xFFFF3800  }
0x3a: {  	[hbm4b:s9+s3] =	stream.linear.scatter [tilespmem:s20], [sflag:$0x3], $0xC800, $0x38;
	[tilespmem:$0x19FE8] =	vst v63  }
0x3b: {  	_ =	swait.ge [sflag:s28], $0xC800  }
0x3c: {  	[sflag:s28] =	ssyncset.done $0x0  }
0x3d: {  	[sflag:s28] =	ssyncadd.s32 $0xFFFF3800  }
0x3e: {  	[tilespmem:s23], [sflag:$0x2] =	stream.indirect.gather [spmem:s2], $0x80, s31, s19, $0xb8;
	[tilespmem:$0x19FE8] =	vst v63  }
0x3f: {  	_ =	swait.ge [sflag:s24], $0xC800  }
0x40: {  	[sflag:s24] =	ssyncset.done $0x0  }
0x41: {  	[sflag:s24] =	ssyncadd.s32 $0xFFFF3800  }
0x42: {  	[hbm4b:s10+s3] =	stream.linear.scatter [tilespmem:s23], [sflag:$0x4], $0xC800, $0x38;
	[tilespmem:$0x19FE8] =	vst v63  }
0x43: {  	_ =	swait.ge [sflag:s25], $0xC800  }
0x44: {  	[sflag:s25] =	ssyncset.done $0x0  }
0x45: {  	[sflag:s25] =	ssyncadd.s32 $0xFFFF3800  }
0x46: {  	[tilespmem:s20], [sflag:$0x1] =	stream.indirect.gather [spmem:s2], $0x80, s1, s19, $0xb8;
	[tilespmem:$0x19FE8] =	vst v63  }
0x47: {  	_ =	swait.ge [sflag:s21], $0xC800  }
0x48: {  	[sflag:s21] =	ssyncset.done $0x0  }
0x49: {  	[sflag:s21] =	ssyncadd.s32 $0xFFFF3800  }
0x4a: {  	[hbm4b:s11+s3] =	stream.linear.scatter [tilespmem:s20], [sflag:$0x3], $0xC800, $0x38;
	[tilespmem:$0x19FE8] =	vst v63  }
0x4b: {  	_ =	swait.ge [sflag:s28], $0xC800  }
0x4c: {  	s0 =	simm.s32 @p3 $0x148;
	[sflag:s28] =	ssyncset.done $0x0  }
0x4d: {  	s15 =	simm.s32 @p3 $0xE58;
	s14 =	simm.s32 @p3 $0xD7E8;
	[sflag:s28] =	ssyncadd.s32 $0xFFFF3800  }
0x4e: {  	[tilespmem:s14], [sflag:$0x2] =	stream.indirect.gather @p3 [spmem:s2], $0x80, s15, s0, $0xb8;
	[tilespmem:$0x19FE8] =	vst v63  }
0x4f: {  	s0 =	simm.s32 @p3 $0x2  }
0x50: {  	_ =	swait.ge @p3 [sflag:s0], $0xA400  }
0x51: {  	[sflag:s0] =	ssyncset.done @p3 $0x0  }
0x52: {  	[sflag:s0] =	ssyncadd.s32 @p3 $0xFFFF5C00;
	s0 =	simm.s32 @p3 $0x0  }
0x53: {  	[hbm4b:s12+s0] =	stream.linear.scatter @p3 [tilespmem:s14], [sflag:$0x4], $0xA400, $0x38;
	[tilespmem:$0x19FE8] =	vst v63  }
0x54: {  	s15 =	simm.s32 @p2 $0xD7E8;
	s0 =	simm.s32 @p2 $0x140;
	s14 =	simm.s32 @p2 $0xE58  }
0x55: {  	[tilespmem:s15], [sflag:$0x2] =	stream.indirect.gather @p2 [spmem:s2], $0x80, s14, s0, $0xb8;
	[tilespmem:$0x19FE8] =	vst v63  }
0x56: {  	s0 =	simm.s32 @p2 $0x2  }
0x57: {  	_ =	swait.ge @p2 [sflag:s0], $0xA000  }
0x58: {  	[sflag:s0] =	ssyncset.done @p2 $0x0  }
0x59: {  	[sflag:s0] =	ssyncadd.s32 @p2 $0xFFFF6000;
	s0 =	simm.s32 @p2 $0x0  }
0x5a: {  	[hbm4b:s12+s0] =	stream.linear.scatter @p2 [tilespmem:s15], [sflag:$0x4], $0xA000, $0x38;
	[tilespmem:$0x19FE8] =	vst v63  }
0x5b: {  	_ =	swait.ge [sflag:s25], $0xC800  }
0x5c: {  	[sflag:s25] =	ssyncset.done $0x0  }
0x5d: {  	s0 =	simm.s32 @p3 $0x4;
	[sflag:s25] =	ssyncadd.s32 $0xFFFF3800  }
0x5e: {  	_ =	swait.ge @p3 [sflag:s0], $0xA400  }
0x5f: {  	s13 =	sadd.s32 $0xFFFFFFFF, s13;
	[sflag:s0] =	ssyncset.done @p3 $0x0  }
0x60: {  	[sflag:s0] =	ssyncadd.s32 @p3 $0xFFFF5C00;
	p3 =	sne.s32 s13, $0x0  }
.Ltmp1:
0x61: {  	_ = 	snop;
	(pc) =	sbr.rel @!p3 .LBB2_7-.Ltmp1, $4  }
0x62: {  	s0 =	simm.s32 @p2 $0x4  }
0x63: {  	_ =	swait.ge @p2 [sflag:s0], $0xA000  }
0x64: {  	[sflag:s0] =	ssyncset.done @p2 $0x0  }
0x65: {  	[sflag:s0] =	ssyncadd.s32 @p2 $0xFFFF6000  }
.LBB2_1:
.Ltmp2:
0x66: {  	(pc) =	sbr.rel @!p0 .LBB2_2-.Ltmp2, $1  }
0x67: {  	_ =	sdelay $0x3  }
.Ltmp3:
0x68: {  	(pc) =	sbr.rel @p1 .LBB2_5-.Ltmp3, $4  }
.Ltmp4:
0x69: {  	(pc) =	sbr.rel @!p1 .LBB2_4-.Ltmp4, $4  }
0x6a: {  	_ = 	snop  }
0x6b: {  	_ = 	snop  }
0x6c: {  	_ = 	snop  }
0x6d: {  	_ = 	snop  }
.LBB2_2:
0x6e: {  	s0 =	rddreg [dreg:$0x0]  }
0x6f: {  	s14 =	rddreg [dreg:$0x5];
	s15 =	simm.s32 $0x1C05  }
0x70: {  	[spmem:s14], [sflag:s15] =	dma.local [hbm:s0], $0x6D0  }
0x71: {  	_ =	swait.ge [sflag:s16], $0x6D0  }
0x72: {  	[sflag:s16] =	ssyncset.done $0x0  }
0x73: {  	[sflag:s16] =	ssyncadd.s32 $0xFFFFF930  }
.LBB2_4:
.Ltmp5:
0x74: {  	(pc) =	sbr.rel .LBB2_6-.Ltmp5, $4  }
0x75: {  	[tilespmem:s17], [sflag:$0x6] =	stream.linear.gather [hbm4b:s5+s3], $0xC38, $0x38;
	[tilespmem:$0x19FE8] =	vst v63  }
0x76: {  	_ =	swait.ge [sflag:s18], $0xC38  }
0x77: {  	[sflag:s18] =	ssyncset.done $0x0  }
0x78: {  	p3 =	por $0x1, $0x1;
	p2 =	por $0x0, $0x0;
	[sflag:s18] =	ssyncadd.s32 $0xFFFFF3C8  }
.LBB2_7:
0x79: {  	_ =	sfence.sel $0x180000  }
0x7a: {  	[bflag:$0x0] =	sbarrier.arrive $0xFFFF  }
0x7b: {  	_ =	strace $0x90000047  }
0x7c: {  	[bflag:$0x2] =	sbarrier.arrive $0xFFFF  }
0x7d: {  	s0 =	rddreg [dreg:$0x4]  }
0x7e: {  	s0 =	sadd.s32 @!p0 $0x100000, s0  }
0x7f: {  	[sflag:s0] =	ssyncadd.tile.s32 @!p0 $0x1;
	_ =	shalt  }
.Lfunc_end2:
_tile_overlayer_lowered:
.L_overlay_start_2:
0x80: {  	(tag) =	ssettag $0x2  }
0x81: {  	s0 =	rddreg [dreg:$0x0];
	s2 =	stileid.u32  }
0x82: {  	s1 =	rddreg [dreg:$0x1];
	p0 =	sne.s32 s2, $0x0  }
0x83: {  	s3 =	rddreg [dreg:$0x2];
	[bflag:$0x3] =	sbarrier.arrive $0xFFFF;
	s2 =	simm.s32 @!p0 $0x1C06  }
0x84: {  	[timem:s3], [sflag:s2] =	dma.local @!p0 [hbm:s0], s1  }
0x85: {  	s0 =	simm.s32 @!p0 $0x6  }
0x86: {  	_ =	swait.ge @!p0 [sflag:s0], s1  }
0x87: {  	s1 =	ssub.s32 @!p0 $0x0, s1;
	[sflag:s0] =	ssyncset.done @!p0 $0x0  }
0x88: {  	[sflag:s0] =	ssyncadd.s32 @!p0 s1  }
0x89: {  	[bflag:$0x3] =	sbarrier.arrive $0xFFFF  }
0x8a: {  	_ =	shalt  }

</sc_bundles>
